<compile_context>
chip_gen: v7x
topology: tpu7x:2x2x1
jax: 0.10.2.dev20260603
libtpu: 0.0.44.dev20260713+nightly
codegen_flags: <defaults>
</compile_context>

<pallas_src>
import jax
import jax.numpy as jnp
from jax import lax
from jax.experimental import pallas as pl
from jax.experimental.pallas import tpu as pltpu
from jax.experimental.pallas import tpu_sc as plsc

N_NODES = 10000
D_FEAT = 128
E = 320000
E_ALL = 2 * E
NC = 2
NS = 16
L = 16
FPT = D_FEAT // NS
WPT = FPT // 2
STRIDE = WPT + 1
CHUNK = 3200
N_CHUNKS = E // CHUNK
N_CHUNKS_ALL = NC * N_CHUNKS
_EPS = 1e-15


def _dot_body(z_hbm, edges_hbm, part_hbm, zt, src_v, dst_v, part_v):
    c = lax.axis_index("c")
    s = lax.axis_index("s")
    pltpu.sync_copy(z_hbm.at[s], zt)
    base = c * N_CHUNKS

    def chunk_body(k, carry):
        off = (base + k) * CHUNK
        pltpu.sync_copy(edges_hbm.at[0, pl.ds(off, CHUNK)], src_v)
        pltpu.sync_copy(edges_hbm.at[1, pl.ds(off, CHUNK)], dst_v)

        @plsc.parallel_loop(0, CHUNK // L, unroll=4)
        def grp(g):
            si = src_v[pl.ds(g * L, L)] * STRIDE
            di = dst_v[pl.ds(g * L, L)] * STRIDE
            acc = None
            for w in range(WPT):
                sw = plsc.bitcast(plsc.load_gather(zt, [si + w]),
                                  jnp.bfloat16)
                dw = plsc.bitcast(plsc.load_gather(zt, [di + w]),
                                  jnp.bfloat16)
                prod = sw * dw
                acc = prod if acc is None else acc + prod
            lo, hi = plsc.unpack(acc, format=plsc.PackFormat.INTERLEAVED)
            part_v[pl.ds(g * L, L)] = lo + hi

        pltpu.sync_copy(part_v, part_hbm.at[base + k, s])
        return carry

    lax.fori_loop(0, N_CHUNKS, chunk_body, 0)


_dot_kernel = pl.kernel(
    _dot_body,
    out_type=jax.ShapeDtypeStruct((N_CHUNKS_ALL, NS, CHUNK), jnp.float32),
    mesh=plsc.VectorSubcoreMesh(core_axis_name="c", subcore_axis_name="s"),
    scratch_types=[
        pltpu.VMEM((N_NODES * STRIDE,), jnp.int32),
        pltpu.VMEM((CHUNK,), jnp.int32),
        pltpu.VMEM((CHUNK,), jnp.int32),
        pltpu.VMEM((CHUNK,), jnp.float32),
    ],
    compiler_params=pltpu.CompilerParams(needs_layout_passes=False),
)

N_POS_BLOCKS = N_CHUNKS


def _loss_body(p_ref, o_ref):
    i = pl.program_id(0)
    v = jnp.sum(p_ref[0], axis=0, keepdims=True)
    p = 1.0 / (1.0 + jnp.exp(-v))
    t = jnp.where(i < N_POS_BLOCKS,
                  -jnp.log(p + _EPS),
                  -jnp.log(1.0 - p + _EPS))
    val = jnp.sum(t) * (1.0 / E)

    @pl.when(i == 0)
    def _init():
        o_ref[...] = jnp.zeros_like(o_ref)

    o_ref[...] += val


_loss_kernel = pl.pallas_call(
    _loss_body,
    grid=(N_CHUNKS_ALL,),
    in_specs=[pl.BlockSpec((1, NS, CHUNK), lambda i: (i, 0, 0))],
    out_specs=pl.BlockSpec((1, 1), lambda i: (0, 0)),
    out_shape=jax.ShapeDtypeStruct((1, 1), jnp.float32),
)


def kernel(z, pos_edge_index, neg_edge_index):
    zb = z.astype(jnp.bfloat16).reshape(N_NODES, NS, WPT, 2)
    zw = lax.bitcast_convert_type(zb, jnp.int32)
    zw = jnp.pad(zw, ((0, 0), (0, 0), (0, STRIDE - WPT)))
    zt = zw.transpose(1, 0, 2).reshape(NS, N_NODES * STRIDE)
    edges = jnp.concatenate(
        [pos_edge_index, neg_edge_index], axis=1).astype(jnp.int32)
    parts = _dot_kernel(zt, edges)
    return _loss_kernel(parts)[0, 0]

# --- scband reference (transcript-rebuilt; emitter-appended) ---
"""Pipeline reference for scband-recon-loss-64510408786259 (READ-ONLY COPY).

The authoritative reference and input builder live on the scoring server;
editing this copy changes nothing except your own understanding.
"""

import jax, jax.numpy as jnp
import numpy as np

N_NODES = 10000
D_FEAT = 128
N_EDGES = 320000
EPS = 1e-15


def setup_inputs(seed: int = 0) -> dict:
    key = jax.random.key(seed)
    k1, k2, k3 = jax.random.split(key, 3)
    z = jax.random.normal(k1, (N_NODES, D_FEAT), dtype=jnp.float32)
    pos_edge_index = jax.random.randint(k2, (2, N_EDGES), 0, N_NODES, dtype=jnp.int64)
    neg_edge_index = jax.random.randint(k3, (2, N_EDGES), 0, N_NODES, dtype=jnp.int64)
    return {"z": z, "pos_edge_index": pos_edge_index, "neg_edge_index": neg_edge_index}


def _decoder(z, edge_index):
    # gather src/dst node embeddings, dot product, sigmoid
    z_i = jnp.take(z, edge_index[0], axis=0)
    z_j = jnp.take(z, edge_index[1], axis=0)
    value = (z_i * z_j).sum(axis=1)
    return jax.nn.sigmoid(value)


def reference(z, pos_edge_index, neg_edge_index):
    # Euclidean manifold, use_hyperdecoder=False -> plain dot-product decoder
    pos_loss = -jnp.log(_decoder(z, pos_edge_index) + EPS).mean()
    neg_loss = -jnp.log(1.0 - _decoder(z, neg_edge_index) + EPS).mean()
    return pos_loss + neg_loss

if __name__ == "__main__":
    import jax
    _d = setup_inputs()
    print(jax.jit(kernel)(*tuple(_d.values())))

</pallas_src>

<mosaic_0001>
#map = affine_map<(d0, d1) -> (0, 0)>
#map1 = affine_map<(d0, d1) -> (0, 0, 0)>
module attributes {stable_mosaic.version = 14 : i64} {
  func.func @_dot_body(%arg0: i32, %arg1: i32, %arg2: memref<16x50000xi32, #tpu.memory_space<hbm>>, %arg3: memref<2x640000xi32, #tpu.memory_space<hbm>>, %arg4: memref<200x16x3200xf32, #tpu.memory_space<hbm>>, %arg5: memref<50000xi32, #tpu.memory_space<vmem>>, %arg6: memref<3200xi32, #tpu.memory_space<vmem>>, %arg7: memref<3200xi32, #tpu.memory_space<vmem>>, %arg8: memref<3200xf32, #tpu.memory_space<vmem>>) attributes {dimension_semantics = [#tpu.dimension_semantics<core_parallel>, #tpu.dimension_semantics<subcore_parallel>], iteration_bounds = array<i64: 2, 16>, scalar_prefetch = 0 : i64, scratch_operands = 4 : i64, tpu.core_type = #tpu.core_type<sc_vector_subcore>, window_params = [{transform_indices = #map}, {transform_indices = #map}, {transform_indices = #map1}]} {
    "tpu.region"() ({
      %run_scoped3A = tpu.sem_alloc : memref<!tpu.dma_semaphore, #tpu.memory_space<semaphore_mem>>
      %dma_start3A = arith.constant 0 : i32
      %dma_start3A_6 = tpu.memref_slice %arg2[%arg1, %dma_start3A] : memref<16x50000xi32, #tpu.memory_space<hbm>> -> memref<1x50000xi32, #tpu.memory_space<hbm>>
      %dma_start3A_7 = tpu.memref_squeeze %dma_start3A_6 : memref<1x50000xi32, #tpu.memory_space<hbm>> -> memref<50000xi32, #tpu.memory_space<hbm>>
      %dma_start3A_8 = arith.constant 0 : i32
      %dma_start3A_9 = tpu.memref_slice %arg2[%arg1, %dma_start3A_8] : memref<16x50000xi32, #tpu.memory_space<hbm>> -> memref<1x50000xi32, #tpu.memory_space<hbm>>
      %dma_start3A_10 = tpu.memref_squeeze %dma_start3A_9 : memref<1x50000xi32, #tpu.memory_space<hbm>> -> memref<50000xi32, #tpu.memory_space<hbm>>
      tpu.enqueue_dma source(%dma_start3A_10 : memref<50000xi32, #tpu.memory_space<hbm>>) target(%arg5 : memref<50000xi32, #tpu.memory_space<vmem>>) target_semaphore(%run_scoped3A : memref<!tpu.dma_semaphore, #tpu.memory_space<semaphore_mem>>)
      %dma_wait3A = arith.constant 0 : i32
      %dma_wait3A_11 = tpu.memref_slice %arg2[%arg1, %dma_wait3A] : memref<16x50000xi32, #tpu.memory_space<hbm>> -> memref<1x50000xi32, #tpu.memory_space<hbm>>
      %dma_wait3A_12 = tpu.memref_squeeze %dma_wait3A_11 : memref<1x50000xi32, #tpu.memory_space<hbm>> -> memref<50000xi32, #tpu.memory_space<hbm>>
      %dma_wait3A_13 = arith.constant 0 : i32
      %dma_wait3A_14 = tpu.memref_slice %arg2[%arg1, %dma_wait3A_13] : memref<16x50000xi32, #tpu.memory_space<hbm>> -> memref<1x50000xi32, #tpu.memory_space<hbm>>
      %dma_wait3A_15 = tpu.memref_squeeze %dma_wait3A_14 : memref<1x50000xi32, #tpu.memory_space<hbm>> -> memref<50000xi32, #tpu.memory_space<hbm>>
      tpu.wait_dma2 semaphore(%run_scoped3A : memref<!tpu.dma_semaphore, #tpu.memory_space<semaphore_mem>>) src(%dma_wait3A_15 : memref<50000xi32, #tpu.memory_space<hbm>>) dst(%arg5 : memref<50000xi32, #tpu.memory_space<vmem>>)
      tpu.yield
    }) : () -> ()
    %mul3A = arith.constant 100 : i32
    %mul3A_0 = arith.muli %arg0, %mul3A : i32
    %scan3A = arith.constant 0 : i32
    %scan3A_1 = arith.constant 0 : i32
    %scan3A_2 = arith.constant 100 : i32
    %scan3A_3 = arith.addi %scan3A_1, %scan3A_2 : i32
    %scan3A_4 = arith.constant 1 : i32
    scf.for %scan3A_6 = %scan3A_1 to %scan3A_3 step %scan3A_4  : i32 {
      %add3A = arith.addi %mul3A_0, %scan3A_6 : i32
      %mul3A_7 = arith.constant 3200 : i32
      %mul3A_8 = arith.muli %add3A, %mul3A_7 : i32
      %run_scoped3A = arith.constant 0 : i32
      "tpu.region"() ({
        %run_scoped3A_13 = tpu.sem_alloc : memref<!tpu.dma_semaphore, #tpu.memory_space<semaphore_mem>>
        %dma_start3A = tpu.memref_slice %arg3[%run_scoped3A, %mul3A_8] : memref<2x640000xi32, #tpu.memory_space<hbm>> -> memref<1x3200xi32, #tpu.memory_space<hbm>>
        %dma_start3A_14 = tpu.memref_squeeze %dma_start3A : memref<1x3200xi32, #tpu.memory_space<hbm>> -> memref<3200xi32, #tpu.memory_space<hbm>>
        %dma_start3A_15 = tpu.memref_slice %arg3[%run_scoped3A, %mul3A_8] : memref<2x640000xi32, #tpu.memory_space<hbm>> -> memref<1x3200xi32, #tpu.memory_space<hbm>>
        %dma_start3A_16 = tpu.memref_squeeze %dma_start3A_15 : memref<1x3200xi32, #tpu.memory_space<hbm>> -> memref<3200xi32, #tpu.memory_space<hbm>>
        tpu.enqueue_dma source(%dma_start3A_16 : memref<3200xi32, #tpu.memory_space<hbm>>) target(%arg6 : memref<3200xi32, #tpu.memory_space<vmem>>) target_semaphore(%run_scoped3A_13 : memref<!tpu.dma_semaphore, #tpu.memory_space<semaphore_mem>>)
        %dma_wait3A = tpu.memref_slice %arg3[%run_scoped3A, %mul3A_8] : memref<2x640000xi32, #tpu.memory_space<hbm>> -> memref<1x3200xi32, #tpu.memory_space<hbm>>
        %dma_wait3A_17 = tpu.memref_squeeze %dma_wait3A : memref<1x3200xi32, #tpu.memory_space<hbm>> -> memref<3200xi32, #tpu.memory_space<hbm>>
        %dma_wait3A_18 = tpu.memref_slice %arg3[%run_scoped3A, %mul3A_8] : memref<2x640000xi32, #tpu.memory_space<hbm>> -> memref<1x3200xi32, #tpu.memory_space<hbm>>
        %dma_wait3A_19 = tpu.memref_squeeze %dma_wait3A_18 : memref<1x3200xi32, #tpu.memory_space<hbm>> -> memref<3200xi32, #tpu.memory_space<hbm>>
        tpu.wait_dma2 semaphore(%run_scoped3A_13 : memref<!tpu.dma_semaphore, #tpu.memory_space<semaphore_mem>>) src(%dma_wait3A_19 : memref<3200xi32, #tpu.memory_space<hbm>>) dst(%arg6 : memref<3200xi32, #tpu.memory_space<vmem>>)
        tpu.yield
      }) : () -> ()
      %run_scoped3A_9 = arith.constant 1 : i32
      "tpu.region"() ({
        %run_scoped3A_13 = tpu.sem_alloc : memref<!tpu.dma_semaphore, #tpu.memory_space<semaphore_mem>>
        %dma_start3A = tpu.memref_slice %arg3[%run_scoped3A_9, %mul3A_8] : memref<2x640000xi32, #tpu.memory_space<hbm>> -> memref<1x3200xi32, #tpu.memory_space<hbm>>
        %dma_start3A_14 = tpu.memref_squeeze %dma_start3A : memref<1x3200xi32, #tpu.memory_space<hbm>> -> memref<3200xi32, #tpu.memory_space<hbm>>
        %dma_start3A_15 = tpu.memref_slice %arg3[%run_scoped3A_9, %mul3A_8] : memref<2x640000xi32, #tpu.memory_space<hbm>> -> memref<1x3200xi32, #tpu.memory_space<hbm>>
        %dma_start3A_16 = tpu.memref_squeeze %dma_start3A_15 : memref<1x3200xi32, #tpu.memory_space<hbm>> -> memref<3200xi32, #tpu.memory_space<hbm>>
        tpu.enqueue_dma source(%dma_start3A_16 : memref<3200xi32, #tpu.memory_space<hbm>>) target(%arg7 : memref<3200xi32, #tpu.memory_space<vmem>>) target_semaphore(%run_scoped3A_13 : memref<!tpu.dma_semaphore, #tpu.memory_space<semaphore_mem>>)
        %dma_wait3A = tpu.memref_slice %arg3[%run_scoped3A_9, %mul3A_8] : memref<2x640000xi32, #tpu.memory_space<hbm>> -> memref<1x3200xi32, #tpu.memory_space<hbm>>
        %dma_wait3A_17 = tpu.memref_squeeze %dma_wait3A : memref<1x3200xi32, #tpu.memory_space<hbm>> -> memref<3200xi32, #tpu.memory_space<hbm>>
        %dma_wait3A_18 = tpu.memref_slice %arg3[%run_scoped3A_9, %mul3A_8] : memref<2x640000xi32, #tpu.memory_space<hbm>> -> memref<1x3200xi32, #tpu.memory_space<hbm>>
        %dma_wait3A_19 = tpu.memref_squeeze %dma_wait3A_18 : memref<1x3200xi32, #tpu.memory_space<hbm>> -> memref<3200xi32, #tpu.memory_space<hbm>>
        tpu.wait_dma2 semaphore(%run_scoped3A_13 : memref<!tpu.dma_semaphore, #tpu.memory_space<semaphore_mem>>) src(%dma_wait3A_19 : memref<3200xi32, #tpu.memory_space<hbm>>) dst(%arg7 : memref<3200xi32, #tpu.memory_space<vmem>>)
        tpu.yield
      }) : () -> ()
      %parallel_loop3A = arith.constant 0 : i32
      %parallel_loop3A_10 = arith.constant 200 : i32
      %parallel_loop3A_11 = arith.constant 1 : i32
      scf.for %parallel_loop3A_13 = %parallel_loop3A to %parallel_loop3A_10 step %parallel_loop3A_11  : i32 {
        %parallel_loop3A_14 = arith.constant 16 : i32
        %parallel_loop3A_15 = arith.muli %parallel_loop3A_13, %parallel_loop3A_14 : i32
        %parallel_loop3A_16 = arith.index_cast %parallel_loop3A_15 : i32 to index
        %parallel_loop3A_17 = tpu.vector_load %arg6[%parallel_loop3A_16] {strides = array<i32>} : memref<3200xi32, #tpu.memory_space<vmem>>, vector<16xi32>,
        %parallel_loop3A_18 = arith.constant 5 : i32
        %parallel_loop3A_19 = vector.broadcast %parallel_loop3A_18 : i32 to vector<16xi32>
        %parallel_loop3A_20 = arith.muli %parallel_loop3A_17, %parallel_loop3A_19 : vector<16xi32>
        %parallel_loop3A_21 = arith.constant 16 : i32
        %parallel_loop3A_22 = arith.muli %parallel_loop3A_13, %parallel_loop3A_21 : i32
        %parallel_loop3A_23 = arith.index_cast %parallel_loop3A_22 : i32 to index
        %parallel_loop3A_24 = tpu.vector_load %arg7[%parallel_loop3A_23] {strides = array<i32>} : memref<3200xi32, #tpu.memory_space<vmem>>, vector<16xi32>,
        %parallel_loop3A_25 = arith.constant 5 : i32
        %parallel_loop3A_26 = vector.broadcast %parallel_loop3A_25 : i32 to vector<16xi32>
        %parallel_loop3A_27 = arith.muli %parallel_loop3A_24, %parallel_loop3A_26 : vector<16xi32>
        %parallel_loop3A_28 = arith.constant 0 : i32
        %parallel_loop3A_29 = vector.broadcast %parallel_loop3A_28 : i32 to vector<16xi32>
        %parallel_loop3A_30 = arith.addi %parallel_loop3A_20, %parallel_loop3A_29 : vector<16xi32>
        %parallel_loop3A_31 = tpu.vector_load_idx %arg5[%parallel_loop3A_30] : memref<50000xi32, #tpu.memory_space<vmem>>[vector<16xi32>], vector<16xi32>,
        %parallel_loop3A_32 = vector.bitcast %parallel_loop3A_31 : vector<16xi32> to vector<32xbf16>
        %parallel_loop3A_33 = arith.constant 0 : i32
        %parallel_loop3A_34 = vector.broadcast %parallel_loop3A_33 : i32 to vector<16xi32>
        %parallel_loop3A_35 = arith.addi %parallel_loop3A_27, %parallel_loop3A_34 : vector<16xi32>
        %parallel_loop3A_36 = tpu.vector_load_idx %arg5[%parallel_loop3A_35] : memref<50000xi32, #tpu.memory_space<vmem>>[vector<16xi32>], vector<16xi32>,
        %parallel_loop3A_37 = vector.bitcast %parallel_loop3A_36 : vector<16xi32> to vector<32xbf16>
        %parallel_loop3A_38 = arith.mulf %parallel_loop3A_32, %parallel_loop3A_37 : vector<32xbf16>
        %parallel_loop3A_39 = arith.constant 1 : i32
        %parallel_loop3A_40 = vector.broadcast %parallel_loop3A_39 : i32 to vector<16xi32>
        %parallel_loop3A_41 = arith.addi %parallel_loop3A_20, %parallel_loop3A_40 : vector<16xi32>
        %parallel_loop3A_42 = tpu.vector_load_idx %arg5[%parallel_loop3A_41] : memref<50000xi32, #tpu.memory_space<vmem>>[vector<16xi32>], vector<16xi32>,
        %parallel_loop3A_43 = vector.bitcast %parallel_loop3A_42 : vector<16xi32> to vector<32xbf16>
        %parallel_loop3A_44 = arith.constant 1 : i32
        %parallel_loop3A_45 = vector.broadcast %parallel_loop3A_44 : i32 to vector<16xi32>
        %parallel_loop3A_46 = arith.addi %parallel_loop3A_27, %parallel_loop3A_45 : vector<16xi32>
        %parallel_loop3A_47 = tpu.vector_load_idx %arg5[%parallel_loop3A_46] : memref<50000xi32, #tpu.memory_space<vmem>>[vector<16xi32>], vector<16xi32>,
        %parallel_loop3A_48 = vector.bitcast %parallel_loop3A_47 : vector<16xi32> to vector<32xbf16>
        %parallel_loop3A_49 = arith.mulf %parallel_loop3A_43, %parallel_loop3A_48 : vector<32xbf16>
        %parallel_loop3A_50 = arith.addf %parallel_loop3A_38, %parallel_loop3A_49 : vector<32xbf16>
        %parallel_loop3A_51 = arith.constant 2 : i32
        %parallel_loop3A_52 = vector.broadcast %parallel_loop3A_51 : i32 to vector<16xi32>
        %parallel_loop3A_53 = arith.addi %parallel_loop3A_20, %parallel_loop3A_52 : vector<16xi32>
        %parallel_loop3A_54 = tpu.vector_load_idx %arg5[%parallel_loop3A_53] : memref<50000xi32, #tpu.memory_space<vmem>>[vector<16xi32>], vector<16xi32>,
        %parallel_loop3A_55 = vector.bitcast %parallel_loop3A_54 : vector<16xi32> to vector<32xbf16>
        %parallel_loop3A_56 = arith.constant 2 : i32
        %parallel_loop3A_57 = vector.broadcast %parallel_loop3A_56 : i32 to vector<16xi32>
        %parallel_loop3A_58 = arith.addi %parallel_loop3A_27, %parallel_loop3A_57 : vector<16xi32>
        %parallel_loop3A_59 = tpu.vector_load_idx %arg5[%parallel_loop3A_58] : memref<50000xi32, #tpu.memory_space<vmem>>[vector<16xi32>], vector<16xi32>,
        %parallel_loop3A_60 = vector.bitcast %parallel_loop3A_59 : vector<16xi32> to vector<32xbf16>
        %parallel_loop3A_61 = arith.mulf %parallel_loop3A_55, %parallel_loop3A_60 : vector<32xbf16>
        %parallel_loop3A_62 = arith.addf %parallel_loop3A_50, %parallel_loop3A_61 : vector<32xbf16>
        %parallel_loop3A_63 = arith.constant 3 : i32
        %parallel_loop3A_64 = vector.broadcast %parallel_loop3A_63 : i32 to vector<16xi32>
        %parallel_loop3A_65 = arith.addi %parallel_loop3A_20, %parallel_loop3A_64 : vector<16xi32>
        %parallel_loop3A_66 = tpu.vector_load_idx %arg5[%parallel_loop3A_65] : memref<50000xi32, #tpu.memory_space<vmem>>[vector<16xi32>], vector<16xi32>,
        %parallel_loop3A_67 = vector.bitcast %parallel_loop3A_66 : vector<16xi32> to vector<32xbf16>
        %parallel_loop3A_68 = arith.constant 3 : i32
        %parallel_loop3A_69 = vector.broadcast %parallel_loop3A_68 : i32 to vector<16xi32>
        %parallel_loop3A_70 = arith.addi %parallel_loop3A_27, %parallel_loop3A_69 : vector<16xi32>
        %parallel_loop3A_71 = tpu.vector_load_idx %arg5[%parallel_loop3A_70] : memref<50000xi32, #tpu.memory_space<vmem>>[vector<16xi32>], vector<16xi32>,
        %parallel_loop3A_72 = vector.bitcast %parallel_loop3A_71 : vector<16xi32> to vector<32xbf16>
        %parallel_loop3A_73 = arith.mulf %parallel_loop3A_67, %parallel_loop3A_72 : vector<32xbf16>
        %parallel_loop3A_74 = arith.addf %parallel_loop3A_62, %parallel_loop3A_73 : vector<32xbf16>
        %parallel_loop3A_75 = tpu.unpack_subelements %parallel_loop3A_74, 0 {pack_format = #tpu.pack_format<interleaved>} : vector<32xbf16> -> vector<16xf32>
        %parallel_loop3A_76 = tpu.unpack_subelements %parallel_loop3A_74, 1 {pack_format = #tpu.pack_format<interleaved>} : vector<32xbf16> -> vector<16xf32>
        %parallel_loop3A_77 = arith.addf %parallel_loop3A_75, %parallel_loop3A_76 : vector<16xf32>
        %parallel_loop3A_78 = arith.constant 16 : i32
        %parallel_loop3A_79 = arith.muli %parallel_loop3A_13, %parallel_loop3A_78 : i32
        %parallel_loop3A_80 = arith.index_cast %parallel_loop3A_79 : i32 to index
        %parallel_loop3A_81 = tpu.vector_load %arg8[%parallel_loop3A_80] {strides = array<i32>} : memref<3200xf32, #tpu.memory_space<vmem>>, vector<16xf32>,
        tpu.vector_store %arg8[%parallel_loop3A_80], %parallel_loop3A_77 {strides = array<i32>} : memref<3200xf32, #tpu.memory_space<vmem>>, vector<16xf32>,
      } {sc.loop_unroll_factor = 4 : i64, sc.parallel_access}
      %add3A_12 = arith.addi %mul3A_0, %scan3A_6 : i32
      "tpu.region"() ({
        %run_scoped3A_13 = tpu.sem_alloc : memref<!tpu.dma_semaphore, #tpu.memory_space<semaphore_mem>>
        %dma_start3A = arith.constant 0 : i32
        %dma_start3A_14 = tpu.memref_slice %arg4[%add3A_12, %arg1, %dma_start3A] : memref<200x16x3200xf32, #tpu.memory_space<hbm>> -> memref<1x1x3200xf32, #tpu.memory_space<hbm>>
        %dma_start3A_15 = tpu.memref_squeeze %dma_start3A_14 : memref<1x1x3200xf32, #tpu.memory_space<hbm>> -> memref<3200xf32, #tpu.memory_space<hbm>>
        %dma_start3A_16 = arith.constant 0 : i32
        %dma_start3A_17 = tpu.memref_slice %arg4[%add3A_12, %arg1, %dma_start3A_16] : memref<200x16x3200xf32, #tpu.memory_space<hbm>> -> memref<1x1x3200xf32, #tpu.memory_space<hbm>>
        %dma_start3A_18 = tpu.memref_squeeze %dma_start3A_17 : memref<1x1x3200xf32, #tpu.memory_space<hbm>> -> memref<3200xf32, #tpu.memory_space<hbm>>
        tpu.enqueue_dma source(%arg8 : memref<3200xf32, #tpu.memory_space<vmem>>) target(%dma_start3A_18 : memref<3200xf32, #tpu.memory_space<hbm>>) target_semaphore(%run_scoped3A_13 : memref<!tpu.dma_semaphore, #tpu.memory_space<semaphore_mem>>)
        %dma_wait3A = arith.constant 0 : i32
        %dma_wait3A_19 = tpu.memref_slice %arg4[%add3A_12, %arg1, %dma_wait3A] : memref<200x16x3200xf32, #tpu.memory_space<hbm>> -> memref<1x1x3200xf32, #tpu.memory_space<hbm>>
        %dma_wait3A_20 = tpu.memref_squeeze %dma_wait3A_19 : memref<1x1x3200xf32, #tpu.memory_space<hbm>> -> memref<3200xf32, #tpu.memory_space<hbm>>
        %dma_wait3A_21 = arith.constant 0 : i32
        %dma_wait3A_22 = tpu.memref_slice %arg4[%add3A_12, %arg1, %dma_wait3A_21] : memref<200x16x3200xf32, #tpu.memory_space<hbm>> -> memref<1x1x3200xf32, #tpu.memory_space<hbm>>
        %dma_wait3A_23 = tpu.memref_squeeze %dma_wait3A_22 : memref<1x1x3200xf32, #tpu.memory_space<hbm>> -> memref<3200xf32, #tpu.memory_space<hbm>>
        tpu.wait_dma2 semaphore(%run_scoped3A_13 : memref<!tpu.dma_semaphore, #tpu.memory_space<semaphore_mem>>) src(%arg8 : memref<3200xf32, #tpu.memory_space<vmem>>) dst(%dma_wait3A_23 : memref<3200xf32, #tpu.memory_space<hbm>>)
        tpu.yield
      }) : () -> ()
    }
    %scan3A_5 = arith.constant 100 : i32
    return
  }
}

module attributes {stable_mosaic.version = 14 : i64} {
  func.func @_loss_body(%arg0: i32, %arg1: memref<1x16x3200xf32, #tpu.memory_space<vmem>>, %arg2: memref<1x1xf32, #tpu.memory_space<vmem>>) attributes {dimension_semantics = [#tpu.dimension_semantics<arbitrary>], iteration_bounds = array<i64: 200>, scalar_prefetch = 0 : i64, scratch_operands = 0 : i64, tpu.core_type = #tpu.core_type<tc>, window_params = [{transform_indices = @transform_0, window_bounds = array<i64: 1, 16, 3200>}, {pipeline_mode = #tpu.pipeline_mode<synchronous>, transform_indices = @transform_1, window_bounds = array<i64: 1, 1>}]} {
    %get3A = arith.constant 0 : index
    %get3A_0 = arith.constant 0 : index
    %get3A_1 = arith.constant 0 : index
    %get3A_2 = vector.load %arg1[%get3A, %get3A_0, %get3A_1] : memref<1x16x3200xf32, #tpu.memory_space<vmem>>, vector<1x16x3200xf32>
    %get3A_3 = vector.shape_cast %get3A_2 : vector<1x16x3200xf32> to vector<16x3200xf32>
    %reduce_sum3A = arith.constant dense<0.000000e+00> : vector<3200xf32>
    %reduce_sum3A_4 = vector.multi_reduction <add>, %get3A_3, %reduce_sum3A [0] : vector<16x3200xf32> to vector<3200xf32>
    %broadcast_in_dim3A = vector.shape_cast %reduce_sum3A_4 : vector<3200xf32> to vector<1x3200xf32>
    %neg3A = arith.constant 0.000000e+00 : f32
    %neg3A_5 = vector.broadcast %neg3A : f32 to vector<1x3200xf32>
    %neg3A_6 = arith.subf %neg3A_5, %broadcast_in_dim3A : vector<1x3200xf32>
    %exp3A = math.exp %neg3A_6 : vector<1x3200xf32>
    %add3A = arith.constant 1.000000e+00 : f32
    %add3A_7 = vector.broadcast %add3A : f32 to vector<1x3200xf32>
    %add3A_8 = arith.addf %add3A_7, %exp3A : vector<1x3200xf32>
    %div3A = arith.constant 1.000000e+00 : f32
    %div3A_9 = vector.broadcast %div3A : f32 to vector<1x3200xf32>
    %div3A_10 = arith.divf %div3A_9, %add3A_8 : vector<1x3200xf32>
    %lt3A = arith.constant 100 : i32
    %lt3A_11 = arith.cmpi slt, %arg0, %lt3A : i32
    %add3A_12 = arith.constant 1.000000e-15 : f32
    %add3A_13 = vector.broadcast %add3A_12 : f32 to vector<1x3200xf32>
    %add3A_14 = arith.addf %div3A_10, %add3A_13 : vector<1x3200xf32>
    %log3A = math.log %add3A_14 : vector<1x3200xf32>
    %neg3A_15 = arith.constant 0.000000e+00 : f32
    %neg3A_16 = vector.broadcast %neg3A_15 : f32 to vector<1x3200xf32>
    %neg3A_17 = arith.subf %neg3A_16, %log3A : vector<1x3200xf32>
    %sub3A = arith.constant 1.000000e+00 : f32
    %sub3A_18 = vector.broadcast %sub3A : f32 to vector<1x3200xf32>
    %sub3A_19 = arith.subf %sub3A_18, %div3A_10 : vector<1x3200xf32>
    %add3A_20 = arith.constant 1.000000e-15 : f32
    %add3A_21 = vector.broadcast %add3A_20 : f32 to vector<1x3200xf32>
    %add3A_22 = arith.addf %sub3A_19, %add3A_21 : vector<1x3200xf32>
    %log3A_23 = math.log %add3A_22 : vector<1x3200xf32>
    %neg3A_24 = arith.constant 0.000000e+00 : f32
    %neg3A_25 = vector.broadcast %neg3A_24 : f32 to vector<1x3200xf32>
    %neg3A_26 = arith.subf %neg3A_25, %log3A_23 : vector<1x3200xf32>
    %select_n3A = arith.select %lt3A_11, %neg3A_17, %neg3A_26 : vector<1x3200xf32>
    %reduce_sum3A_27 = vector.shape_cast %select_n3A : vector<1x3200xf32> to vector<1x1x3200xf32>
    %reduce_sum3A_28 = arith.constant dense<0.000000e+00> : vector<1xf32>
    %reduce_sum3A_29 = vector.multi_reduction <add>, %reduce_sum3A_27, %reduce_sum3A_28 [1, 2] : vector<1x1x3200xf32> to vector<1xf32>
    %reduce_sum3A_30 = vector.shape_cast %reduce_sum3A_29 : vector<1xf32> to vector<1x1x1xf32>
    %reduce_sum3A_31 = vector.extract %reduce_sum3A_30[0, 0, 0] : f32 from vector<1x1x1xf32>
    %mul3A = arith.constant 3.125000e-06 : f32
    %mul3A_32 = arith.mulf %reduce_sum3A_31, %mul3A : f32
    %eq3A = arith.constant 0 : i32
    %eq3A_33 = arith.cmpi eq, %arg0, %eq3A : i32
    %convert_element_type3A = arith.extui %eq3A_33 : i1 to i32
    %cond3A = arith.constant 0 : i32
    %cond3A_34 = arith.cmpi ne, %convert_element_type3A, %cond3A : i32
    scf.if %cond3A_34 {
      %broadcast_in_dim3A_42 = arith.constant 0.000000e+00 : f32
      %broadcast_in_dim3A_43 = vector.broadcast %broadcast_in_dim3A_42 : f32 to vector<1x1xf32>
      %swap3A_44 = arith.constant 0 : index
      %swap3A_45 = arith.constant 0 : index
      %swap3A_46 = vector.load %arg2[%swap3A_44, %swap3A_45] : memref<1x1xf32, #tpu.memory_space<vmem>>, vector<1x1xf32>
      tpu.vector_store %arg2[%swap3A_44, %swap3A_45], %broadcast_in_dim3A_43 {strides = array<i32>} : memref<1x1xf32, #tpu.memory_space<vmem>>, vector<1x1xf32>,
    } else {
    }
    %get3A_35 = arith.constant 0 : index
    %get3A_36 = arith.constant 0 : index
    %get3A_37 = vector.load %arg2[%get3A_35, %get3A_36] : memref<1x1xf32, #tpu.memory_space<vmem>>, vector<1x1xf32>
    %add3A_38 = vector.broadcast %mul3A_32 : f32 to vector<1x1xf32>
    %add3A_39 = arith.addf %get3A_37, %add3A_38 : vector<1x1xf32>
    %swap3A = arith.constant 0 : index
    %swap3A_40 = arith.constant 0 : index
    %swap3A_41 = vector.load %arg2[%swap3A, %swap3A_40] : memref<1x1xf32, #tpu.memory_space<vmem>>, vector<1x1xf32>
    tpu.vector_store %arg2[%swap3A, %swap3A_40], %add3A_39 {strides = array<i32>} : memref<1x1xf32, #tpu.memory_space<vmem>>, vector<1x1xf32>,
    return
  }
  func.func @transform_0(%arg0: i32) -> (i32, i32, i32) {
    %c0_i32 = arith.constant 0 : i32
    %c0_i32_0 = arith.constant 0 : i32
    %c0_i32_1 = arith.constant 0 : i32
    return %arg0, %c0_i32, %c0_i32_0 : i32, i32, i32
  }
  func.func @transform_1(%arg0: i32) -> (i32, i32) {
    %c0_i32 = arith.constant 0 : i32
    %c0_i32_0 = arith.constant 0 : i32
    %c0_i32_1 = arith.constant 0 : i32
    return %c0_i32, %c0_i32_0 : i32, i32
  }
}

</mosaic_0001>

<sc_bundles>
// kernel: kernel.4.cloned.1.call-start
scs
__scs_entry_jumppad:
0x0: {  	(pc) =	sbr.rel $0x88, $3  }
0x1: {  	(tag) =	ssettag $0x0;
	lr =	simm.s32 $0x1  }
0x2: {  	[smem:$0x3F9E] =	sst lr;
	_ =	strace $0xD0000000  }
0x3: {  	_ = 	snop  }
0x4: {  	_ = 	snop  }
0x5: {  	_ = 	snop  }
0x6: {  	_ = 	snop  }
0x7: {  	_ = 	snop  }
__scs_overlays_trampoline_lowered:
0x8: {  	[smem:$0x3FAD] =	sst s0  }
0x9: {  	[smem:$0x3FAE] =	sst s1  }
0xa: {  	[smem:$0x3FAF] =	sst s2  }
0xb: {  	[smem:$0x3FB0] =	sst s3  }
0xc: {  	[smem:$0x3FB1] =	sst s4  }
0xd: {  	[smem:$0x3FB2] =	sst s5  }
0xe: {  	[smem:$0x3FB3] =	sst s6  }
0xf: {  	[smem:$0x3FB4] =	sst s7  }
0x10: {  	[smem:$0x3FB5] =	sst s8  }
0x11: {  	[smem:$0x3FB6] =	sst s9;
	s0 =	simm.s32 @!p0 $0x0  }
0x12: {  	s1 =	sld [smem:$0x3F9C];
	s0 =	simm.s32 @p0 $0x1  }
0x13: {  	[smem:$0x3FB7] =	sst s0;
	s0 =	simm.s32 @!p1 $0x0  }
0x14: {  	s2 =	sld [smem:$0x3F9B];
	s0 =	simm.s32 @p1 $0x1  }
0x15: {  	[smem:$0x3FB8] =	sst s0;
	s0 =	simm.s32 @!p2 $0x0  }
0x16: {  	s3 =	sld [smem:$0x3FDB];
	s0 =	simm.s32 @p2 $0x1  }
0x17: {  	s4 =	simm.s32 $0x1BF5;
	[smem:$0x3FBA] =	sst s0  }
0x18: {  	s0 =	sld [smem:$0x3F9D];
	_ =	swait.ge [sflag:s4], $0x0  }
0x19: {  	s7 =	sld [smem:$0x3F9E]  }
0x1a: {  	s8 =	sadd.s32 $0xFFFFE003, lr  }
0x1b: {  	s9 =	sadd.s32 $0xFFFFFEF7, lr;
	s5 =	simm.s32 $0xFFFFFFFF;
	p2 =	slt.u32 s8, $0xFFFFF086  }
0x1c: {  	p1 =	slt.u32 s9, $0xF7A;
	s5 =	simm.s32 @!p2 $0x0  }
0x1d: {  	s5 =	simm.s32 @p1 $0x1;
	p0 =	seq.s32 s7, s2  }
0x1e: {  	s7 =	smul.u32 @!p0 $0xF7A, s2;
	p2 =	seq.s32 @!p0 s5, $0x0  }
0x1f: {  	s9 =	smul.u32 $0xF7A, s1;
	s8 =	simm.s32 @!p0 $0x1BF5;
	p2 =	por !p2, p0  }
0x20: {  	[sflag:s8] =	ssyncset.s32 @!p0 $0xFFFFF086;
	s6 =	sadd.s32 @!p0 s3, s7;
	s7 =	simm.s32 @!p0 $0x108  }
0x21: {  	s3 =	sadd.s32 s3, s9;
	s6 =	sadd.s32 @!p0 $0x88, s6;
	s7 =	simm.s32 @p2 $0x1082  }
0x22: {  	[simem:s7], [sflag:s8] =	dma.local @!p0 [hbm:s6], $0xF7A  }
0x23: {  	s9 =	sor.u32 $0xD0000000, s2;
	s6 =	simm.s32 $0x108;
	_ =	swait.ge @!p0 [sflag:s8], $0x0  }
0x24: {  	s3 =	sadd.s32 $0x88, s3;
	s6 =	simm.s32 @!p1 $0x1082;
	[sflag:s4] =	ssyncset.s32 $0xFFFFF086  }
0x25: {  	[simem:s6], [sflag:s4] =	dma.local [hbm:s3], $0xF7A  }
0x26: {  	[smem:$0x3F9E] =	sst s1;
	(tag) =	ssettag s2;
	_ =	strace s9  }
0x27: {  	s1 =	sld [smem:$0x3FAE]  }
0x28: {  	s2 =	sld [smem:$0x3FAF]  }
0x29: {  	s4 =	sld [smem:$0x3FB1]  }
0x2a: {  	p0 =	seq.s32 s5, $0x0;
	s5 =	sld [smem:$0x3FB2]  }
0x2b: {  	s6 =	sld [smem:$0x3FB3]  }
0x2c: {  	s7 =	sld [smem:$0x3FB4]  }
0x2d: {  	s3 =	simm.s32 $0x108;
	s8 =	sld [smem:$0x3FB5]  }
0x2e: {  	s3 =	simm.s32 @!p0 $0x1082;
	s9 =	sld [smem:$0x3FB6]  }
0x2f: {  	lr =	sadd.s32 s0, s3;
	s0 =	sld [smem:$0x3FAD]  }
0x30: {  	s3 =	sld [smem:$0x3FB0]  }
0x31: {  	[smem:$0x3FB9] =	sst s10  }
0x32: {  	s10 =	sld [smem:$0x3FB7];
	_ =	sdelay $0x3  }
0x33: {  	p0 =	seq.s32 s10, $0x1;
	s10 =	sld [smem:$0x3FB9];
	_ =	sdelay $0x3  }
0x34: {  	[smem:$0x3FB9] =	sst s10  }
0x35: {  	s10 =	sld [smem:$0x3FB8];
	_ =	sdelay $0x3  }
0x36: {  	p1 =	seq.s32 s10, $0x1;
	s10 =	sld [smem:$0x3FB9];
	_ =	sdelay $0x3  }
0x37: {  	[smem:$0x3FB9] =	sst s10  }
0x38: {  	s10 =	sld [smem:$0x3FBA]  }
0x39: {  	_ = 	snop;
	(pc) =	sbr.ind lr, $3  }
0x3a: {  	_ = 	snop  }
0x3b: {  	_ = 	snop  }
0x3c: {  	p2 =	seq.s32 s10, $0x1;
	s10 =	sld [smem:$0x3FB9]  }
0x3d: {  	_ =	shalt  }
0x3e: {  	_ =	shalt  }
0x3f: {  	_ =	shalt  }
0x40: {  	_ =	shalt  }
0x41: {  	_ =	shalt  }
0x42: {  	_ =	shalt  }
0x43: {  	_ =	shalt  }
0x44: {  	_ =	shalt  }
0x45: {  	_ =	shalt  }
0x46: {  	_ =	shalt  }
0x47: {  	_ =	shalt  }
0x48: {  	_ =	shalt  }
0x49: {  	_ =	shalt  }
0x4a: {  	_ =	shalt  }
0x4b: {  	_ =	shalt  }
0x4c: {  	_ =	shalt  }
0x4d: {  	_ =	shalt  }
0x4e: {  	_ =	shalt  }
0x4f: {  	_ =	shalt  }
0x50: {  	_ =	shalt  }
0x51: {  	_ =	shalt  }
0x52: {  	_ =	shalt  }
0x53: {  	_ =	shalt  }
0x54: {  	_ =	shalt  }
0x55: {  	_ =	shalt  }
0x56: {  	_ =	shalt  }
0x57: {  	_ =	shalt  }
0x58: {  	_ =	shalt  }
0x59: {  	_ =	shalt  }
0x5a: {  	_ =	shalt  }
0x5b: {  	_ =	shalt  }
0x5c: {  	_ =	shalt  }
0x5d: {  	_ =	shalt  }
0x5e: {  	_ =	shalt  }
0x5f: {  	_ =	shalt  }
0x60: {  	_ =	shalt  }
0x61: {  	_ =	shalt  }
0x62: {  	_ =	shalt  }
0x63: {  	_ =	shalt  }
0x64: {  	_ =	shalt  }
0x65: {  	_ =	shalt  }
0x66: {  	_ =	shalt  }
0x67: {  	_ =	shalt  }
0x68: {  	_ =	shalt  }
0x69: {  	_ =	shalt  }
0x6a: {  	_ =	shalt  }
0x6b: {  	_ =	shalt  }
0x6c: {  	_ =	shalt  }
0x6d: {  	_ =	shalt  }
0x6e: {  	_ =	shalt  }
0x6f: {  	_ =	shalt  }
0x70: {  	_ =	shalt  }
0x71: {  	_ =	shalt  }
0x72: {  	_ =	shalt  }
0x73: {  	_ =	shalt  }
0x74: {  	_ =	shalt  }
0x75: {  	_ =	shalt  }
0x76: {  	_ =	shalt  }
0x77: {  	_ =	shalt  }
0x78: {  	_ =	shalt  }
0x79: {  	_ =	shalt  }
0x7a: {  	_ =	shalt  }
0x7b: {  	_ =	shalt  }
0x7c: {  	_ =	shalt  }
0x7d: {  	_ =	shalt  }
0x7e: {  	_ =	shalt  }
0x7f: {  	_ =	shalt  }
0x80: {  	_ =	shalt  }
0x81: {  	_ =	shalt  }
0x82: {  	_ =	shalt  }
0x83: {  	_ =	shalt  }
0x84: {  	_ =	shalt  }
0x85: {  	_ =	shalt  }
0x86: {  	_ =	shalt  }
0x87: {  	_ =	shalt  }
.Lfunc_end0:
.L_simem_size_0:
called_computation_lowered:
.L_overlay_start_0:
0x88: {  	s2 =	sld [smem:$0x3FD9]  }
0x89: {  	s3 =	sld [smem:$0x3FFE];
	_ =	sdelay $0x1  }
0x8a: {  	s1 =	srdreg.scid  }
0x8b: {  	s0 =	sand.u32 $0x1, s1  }
0x8c: {  	s16 =	sshll.u32 s0, $0xA;
	s2 =	sadd.s32 s3, s2  }
0x8d: {  	s2 =	sadd.s32 s2, s16  }
0x8e: {  	[smem:$0x3FC5] =	sst s2  }
0x8f: {  	_ = 	snop  }
0x90: {  	(tm) =	ssettm $0x1  }
0x91: {  	s17 =	sld [smem:$0x3FFB];
	_ =	sdelay $0x3  }
0x92: {  	_ =	strace s17  }
0x93: {  	s2 =	sld [smem:$0x3FFC];
	_ =	sdelay $0x3  }
0x94: {  	_ =	strace s2  }
0x95: {  	s2 =	sld [smem:$0x3FFD];
	_ =	sdelay $0x3  }
0x96: {  	_ =	strace s2  }
0x97: {  	_ =	strace $0x8FFFFFFF  }
0x98: {  	s18 =	sld [smem:$0x3FDB];
	_ =	sdelay $0x1  }
0x99: {  	s19 =	simm.s32 $_scs_section_size  }
0x9a: {  	s4 =	simm.s32 $_size__tile_overlayer_lowered;
	s5 =	simm.s32 $_tile_overlayer_lowered  }
0x9b: {  	s22 =	simm.s32 $0x1BFF;
	s21 =	sshll.u32 s5, $0x1;
	s2 =	sadd.s32 s19, s18  }
0x9c: {  	s6 =	simm.s32 $0x0;
	s20 =	sshll.u32 s4, $0x1;
	s4 =	sadd.s32 s21, s2  }
0x9d: {  	[timem:s6], [sflag:s22] =	dma.local [hbm:s4], s20  }
0x9e: {  	_ =	swait.ge [sflag:s22], s20  }
0x9f: {  	s3 =	ssub.s32 $0x0, s20;
	[sflag:s22] =	ssyncset.done $0x0  }
0xa0: {  	[sflag:s22] =	ssyncadd.s32 s3;
	_ =	sdelay $0x1  }
0xa1: {  	s23 =	simm.s32 $0x1B8B  }
0xa2: {  	_ =	swait.ge [sflag:s23], $0x1  }
0xa3: {  	[sflag:s23] =	ssyncset.done $0x0  }
0xa4: {  	s25 =	simm.s32 $0x1B8E;
	s24 =	sld [smem:$0x3FFE];
	[sflag:s23] =	ssyncadd.s32 $0xFFFFFFFF  }
0xa5: {  	s26 =	simm.s32 $execute0_lowered;
	[smem:$0x3FD2] =	sst s25  }
0xa6: {  	s4 =	sshll.u32 s26, $0x1;
	_ =	strace $0x80000046;
	[dreg:$0x1] =	wrdreg $0xFFFFFFFF  }
0xa7: {  	s28 =	simm.s32 $_size_execute0_lowered;
	s2 =	sadd.s32 s2, s4;
	[dreg:$0x0] =	wrdreg $0x0  }
0xa8: {  	s4 =	sshll.u32 s28, $0x1;
	[dreg:$0x2] =	wrdreg s2  }
0xa9: {  	[dreg:$0x3] =	wrdreg s4  }
0xaa: {  	[dreg:$0x4] =	wrdreg $0xC0  }
0xab: {  	_ =	task [dreg:s6], $0x5FFFF  }
0xac: {  	[dreg:$0x1] =	wrdreg $0xFFFFFFFF  }
0xad: {  	[dreg:$0x0] =	wrdreg $0x60  }
0xae: {  	[dreg:$0x2] =	wrdreg s24  }
0xaf: {  	[dreg:$0x3] =	wrdreg $0x9  }
0xb0: {  	_ =	task.clear_ibuf [dreg:s6], $0x4FFFF;
	_ =	strace $0x90000046  }
0xb1: {  	s29 =	simm.s32 $0x9;
	_ =	strace $0x80000048  }
0xb2: {  	_ =	swait.ge [sflag:s29], $0x1  }
0xb3: {  	[sflag:s29] =	ssyncadd.s32 $0xFFFFFFFF  }
0xb4: {  	_ =	strace $0x90000048  }
0xb5: {  	_ =	sfence  }
0xb6: {  	s30 =	sld [smem:$0x0];
	_ =	sdelay $0x2  }
0xb7: {  	s31 =	sshll.u32 s1, $0xD;
	s1 =	sshrl.u32 s1, $0x2  }
0xb8: {  	s3 =	sand.u32 $0x4000, s31;
	s1 =	sadd.s32 s1, s30  }
0xb9: {  	s0 =	sor.u32 s3, s0;
	s1 =	sshll.u32 s1, $0x11  }
0xba: {  	s0 =	sor.u32 s1, s0  }
0xbb: {  	s0 =	sadd.s32 $0x8F2B, s0  }
0xbc: {  	[sflag:s0] =	ssyncadd.remote.s32 $0x1  }
0xbd: {  	_ =	sfence.sel $0xFFFF  }
0xbe: {  	[dreg:$0x0] =	wrdreg $0xFFFFFFFF;
	(pc) =	sbr.abs _section_cstart, $3  }
0xbf: {  	[dreg:$0x1] =	wrdreg $0xFFFFFFFF  }
0xc0: {  	_ =	task.clear_ibuf [dreg:s6], $0x2FFFF;
	_ =	strace $0x9FFFFFFF  }
0xc1: {  	(tm) =	ssettm $0x7FFFFFFF  }
tec
execute0_lowered:
.L_overlay_start_1:
0x0: {  	(tag) =	ssettag $0x1  }
0x1: {  	s0 =	stileid.u32;
	s7 =	rddreg [dreg:$0x0]  }
0x2: {  	s1 =	rddreg [dreg:$0x1];
	s5 =	srdreg.scid  }
0x3: {  	s12 =	simm.s32 $0x1;
	s13 =	simm.s32 $0x100;
	s14 =	simm.s32 $0xC380  }
0x4: {  	s15 =	simm.s32 $0xD000;
	s16 =	simm.s32 $0xDC80;
	s17 =	simm.s32 $0x0  }
0x5: {  	s4 =	sshrl.u32 s0, $0x3;
	s2 =	sshll.u32 s0, $0x7;
	s6 =	sand.u32 $0x1, s5  }
0x6: {  	s3 =	smul.u32 $0x61C00, s4;
	s8 =	sand.u32 $0x380, s2;
	s2 =	simm.s32 $0x0  }
0x7: {  	s9 =	ssub.s32 $0x2, s6;
	s11 =	smul.u32 $0x6400, s4;
	s4 =	sadd.s32 $0x3FE00, s7  }
0x8: {  	s6 =	smul.u32 $0x64, s6;
	[smem:$0x7FF] =	sst s2;
	s10 =	sshrl.u32 s9, $0x1  }
0x9: {  	s3 =	sor.u32 s8, s3;
	_ =	strace $0x80000047;
	s9 =	ssub.s32 s9, s10  }
0xa: {  	s8 =	sor.u32 s8, s11;
	s10 =	simm.s32 $0x80;
	s3 =	sshrl.u32 s3, $0x3  }
0xb: {  	s11 =	simm.s32 $0x400;
	s9 =	smax.u32 s9, $0x1;
	s31 =	sadd.s32 s3, s7  }
0xc: {  	s3 =	sadd.s32 $0x18C00, s7;
	s7 =	sadd.s32 $0x18C10, s7;
	s5 =	sadd.s32 $0x400, s31  }
.LBB2_1:
0xd: {  	[tilespmem:s2], [sflag:$0x1] =	stream.strided.gather [hbm4b:s5+s10], $0xC380, s11, s10, $0x38;
	[tilespmem:$0xE900] =	vst v63  }
0xe: {  	_ =	swait.ge [sflag:s12], $0xC380  }
0xf: {  	[sflag:s12] =	ssyncset.done $0x0  }
0x10: {  	s18 =	simm.s32 $0x0;
	[sflag:s12] =	ssyncadd.s32 $0xFFFF3C80  }
.LBB2_2:
0x11: {  	s19 =	sadd.s32 s6, s18  }
0x12: {  	s20 =	smul.u32 $0x320, s19;
	_ =	sdelay $0x1  }
0x13: {  	s21 =	sadd.s32 s3, s20  }
0x14: {  	[tilespmem:s14], [sflag:$0x1] =	stream.strided.gather [hbm4b:s21+s10], $0xC80, s13, s10, $0x38;
	[tilespmem:$0xE900] =	vst v63  }
0x15: {  	_ =	swait.ge [sflag:s12], $0xC80  }
0x16: {  	[sflag:s12] =	ssyncset.done $0x0  }
0x17: {  	s20 =	sadd.s32 s20, s7;
	[sflag:s12] =	ssyncadd.s32 $0xFFFFF380  }
0x18: {  	[tilespmem:s15], [sflag:$0x1] =	stream.strided.gather [hbm4b:s20+s10], $0xC80, s13, s10, $0x38;
	[tilespmem:$0xE900] =	vst v63  }
0x19: {  	_ =	swait.ge [sflag:s12], $0xC80  }
0x1a: {  	[sflag:s12] =	ssyncset.done $0x0  }
0x1b: {  	s31 =	simm.s32 $0xC3A0;
	[sflag:s12] =	ssyncadd.s32 $0xFFFFF380  }
0x1c: {  	s20 =	simm.s32 $0xD020;
	v0 =	vld [tilespmem:s31+$0x10]  }
0x1d: {  	v1 =	vld [tilespmem:s20+$0x10]  }
0x1e: {  	v4 =	vld [tilespmem:s31+$0xFFFFFFE0]  }
0x1f: {  	v2 =	vld [tilespmem:s20+$0xFFFFFFE0]  }
0x20: {  	v5 =	vld [tilespmem:s20+$0xFFFFFFF0]  }
0x21: {  	v9 =	vld [tilespmem:s20+$0x0];
	v0 =	vmul.u32 $0x5, v0  }
0x22: {  	v1 =	vmul.u32 $0x5, v1  }
0x23: {  	v4 =	vmul.u32 $0x5, v4  }
0x24: {  	v2 =	vmul.u32 $0x5, v2  }
0x25: {  	v3 =	vld [tilespmem:s31+$0xFFFFFFF0];
	v16 =	vmul.u32 $0x5, v5  }
0x26: {  	v7 =	vld [tilespmem:s31+$0x0];
	v9 =	vmul.u32 $0x5, v9  }
0x27: {  	v11 =	vld.idx.msk [tilespmem:v0+s2+$0x0], $0xffff  }
0x28: {  	v6 =	vadd.s32 $0x1, v0;
	v13 =	vld.idx.msk [tilespmem:v1+s2+$0x0], $0xffff  }
0x29: {  	v8 =	vadd.s32 $0x1, v1;
	v20 =	vld.idx.msk [tilespmem:v4+s2+$0x0], $0xffff  }
0x2a: {  	v10 =	vadd.s32 $0x2, v0;
	v22 =	vld.idx.msk [tilespmem:v2+s2+$0x0], $0xffff  }
0x2b: {  	v12 =	vadd.s32 $0x2, v1;
	v24 =	vld.idx.msk [tilespmem:v16+s2+$0x0], $0xffff  }
0x2c: {  	v17 =	vmul.u32 $0x5, v7;
	v14 =	vadd.s32 $0x1, v4;
	v26 =	vld.idx.msk [tilespmem:v9+s2+$0x0], $0xffff  }
0x2d: {  	v15 =	vadd.s32 $0x1, v2;
	v6 =	vld.idx.msk [tilespmem:v6+s2+$0x0], $0xffff  }
0x2e: {  	v18 =	vadd.s32 $0x1, v17;
	v8 =	vld.idx.msk [tilespmem:v8+s2+$0x0], $0xffff  }
0x2f: {  	v19 =	vadd.s32 $0x1, v9;
	v5 =	vld.idx.msk [tilespmem:v10+s2+$0x0], $0xffff  }
0x30: {  	v0 =	vadd.s32 $0x3, v0;
	v7 =	vld.idx.msk [tilespmem:v12+s2+$0x0], $0xffff  }
0x31: {  	v3 =	vmul.u32 $0x5, v3;
	v1 =	vadd.s32 $0x3, v1;
	v14 =	vld.idx.msk [tilespmem:v14+s2+$0x0], $0xffff  }
0x32: {  	v21 =	vadd.s32 $0x2, v4;
	v15 =	vld.idx.msk [tilespmem:v15+s2+$0x0], $0xffff  }
0x33: {  	v10 =	vadd.s32 $0x1, v3;
	v18 =	vld.idx.msk [tilespmem:v18+s2+$0x0], $0xffff  }
0x34: {  	v12 =	vadd.s32 $0x1, v16;
	v19 =	vld.idx.msk [tilespmem:v19+s2+$0x0], $0xffff  }
0x35: {  	v0 =	vld.idx.msk [tilespmem:v0+s2+$0x0], $0xffff  }
0x36: {  	v23 =	vadd.s32 $0x2, v2;
	v1 =	vld.idx.msk [tilespmem:v1+s2+$0x0], $0xffff  }
0x37: {  	v21 =	vld.idx.msk [tilespmem:v21+s2+$0x0], $0xffff;
	v11 =	vmul.bf16 v13, v11;
	v6 =	vmul.bf16 v8, v6  }
0x38: {  	v13 =	vadd.s32 $0x2, v3;
	v10 =	vld.idx.msk [tilespmem:v10+s2+$0x0], $0xffff  }
0x39: {  	v25 =	vadd.s32 $0x2, v16;
	v12 =	vld.idx.msk [tilespmem:v12+s2+$0x0], $0xffff;
	v5 =	vmul.bf16 v7, v5;
	v6 =	vadd.bf16 v6, v11  }
0x3a: {  	v8 =	vld.idx.msk [tilespmem:v3+s2+$0x0], $0xffff;
	v3 =	vadd.s32 $0x3, v3  }
0x3b: {  	v23 =	vld.idx.msk [tilespmem:v23+s2+$0x0], $0xffff;
	v7 =	vadd.s32 $0x2, v17;
	v5 =	vadd.bf16 v5, v6;
	v0 =	vmul.bf16 v1, v0  }
0x3c: {  	v27 =	vadd.s32 $0x2, v9;
	v11 =	vld.idx.msk [tilespmem:v17+s2+$0x0], $0xffff  }
0x3d: {  	v1 =	vadd.s32 $0x3, v4;
	v4 =	vld.idx.msk [tilespmem:v13+s2+$0x0], $0xffff;
	v0 =	vadd.bf16 v0, v5  }
0x3e: {  	v28 =	vadd.s32 $0x3, v2;
	v6 =	vld.idx.msk [tilespmem:v25+s2+$0x0], $0xffff;
	v10 =	vmul.bf16 v12, v10  }
0x3f: {  	v63 =	vmul.bf16 v24, v8;
	v3 =	vld.idx.msk [tilespmem:v3+s2+$0x0], $0xffff;
	v2 =	vunpack.i.u.bf16.f32 v0;
	v0 =	vunpack.i.l.bf16.f32 v0  }
0x40: {  	v13 =	vmul.bf16 v15, v14;
	v15 =	vmul.bf16 v22, v20;
	v5 =	vld.idx.msk [tilespmem:v7+s2+$0x0], $0xffff;
	v12 =	vadd.f32 v0, v2  }
0x41: {  	s21 =	simm.s32 $0xDCA0;
	v14 =	vmul.bf16 v19, v18;
	v7 =	vld.idx.msk [tilespmem:v27+s2+$0x0], $0xffff;
	v11 =	vmul.bf16 v26, v11;
	v10 =	vadd.bf16 v10, v63  }
0x42: {  	v2 =	vadd.s32 $0x3, v16;
	v8 =	vld.idx.msk [tilespmem:v1+s2+$0x0], $0xffff;
	[tilespmem:s21+$0x10] =	vst v12;
	v12 =	vadd.bf16 v13, v15;
	v13 =	vmul.bf16 v23, v21  }
0x43: {  	s22 =	simm.s32 $0x0;
	s23 =	simm.s32 $0xC3E0;
	v1 =	vadd.s32 $0x3, v17;
	v0 =	vadd.s32 $0x3, v9;
	v9 =	vld.idx.msk [tilespmem:v28+s2+$0x0], $0xffff;
	v11 =	vadd.bf16 v14, v11  }
.LBB2_3:
0x44: {  	v14 =	vld [tilespmem:s23+$0x10];
	v12 =	vadd.bf16 v13, v12;
	v4 =	vmul.bf16 v6, v4;
	s20 =	sadd.s32 $0x40, s20  }
0x45: {  	v6 =	vld [tilespmem:s20+$0x10]  }
0x46: {  	s22 =	sadd.s32 $0x4, s22;
	v5 =	vmul.bf16 v7, v5;
	v13 =	vld [tilespmem:s20+$0xFFFFFFE0];
	v4 =	vadd.bf16 v4, v10  }
0x47: {  	p0 =	slt.u32 s22, $0xC4;
	v7 =	vld [tilespmem:s23+$0xFFFFFFF0]  }
0x48: {  	v8 =	vmul.bf16 v9, v8;
	v5 =	vadd.bf16 v5, v11;
	v10 =	vld [tilespmem:s20+$0xFFFFFFF0]  }
0x49: {  	v9 =	vld [tilespmem:s23+$0x0];
	v11 =	vmul.u32 $0x5, v14  }
0x4a: {  	v8 =	vadd.bf16 v8, v12;
	v14 =	vld [tilespmem:s20+$0x0];
	v6 =	vmul.u32 $0x5, v6  }
0x4b: {  	v12 =	vld [tilespmem:s23+$0xFFFFFFE0];
	v13 =	vmul.u32 $0x5, v13  }
0x4c: {  	v15 =	vadd.s32 $0x1, v11;
	v16 =	vunpack.i.u.bf16.f32 v8;
	v7 =	vmul.u32 $0x5, v7;
	v17 =	vld.idx.msk [tilespmem:v2+s2+$0x0], $0xffff  }
0x4d: {  	v2 =	vadd.s32 $0x1, v6;
	v18 =	vadd.s32 $0x1, v13;
	v10 =	vmul.u32 $0x5, v10;
	v19 =	vld.idx.msk [tilespmem:v1+s2+$0x0], $0xffff  }
0x4e: {  	v1 =	vadd.s32 $0x2, v11;
	v20 =	vadd.s32 $0x1, v7;
	v9 =	vmul.u32 $0x5, v9;
	v21 =	vld.idx.msk [tilespmem:v0+s2+$0x0], $0xffff  }
0x4f: {  	v0 =	vadd.s32 $0x2, v6;
	v22 =	vadd.s32 $0x1, v10;
	v14 =	vmul.u32 $0x5, v14;
	v23 =	vld.idx.msk [tilespmem:v11+s2+$0x0], $0xffff  }
0x50: {  	v11 =	vadd.s32 $0x3, v11;
	v12 =	vmul.u32 $0x5, v12;
	v24 =	vadd.s32 $0x1, v9;
	v25 =	vld.idx.msk [tilespmem:v6+s2+$0x0], $0xffff  }
0x51: {  	v26 =	vadd.s32 $0x2, v13;
	v6 =	vadd.s32 $0x3, v6;
	v27 =	vadd.s32 $0x1, v14;
	v15 =	vld.idx.msk [tilespmem:v15+s2+$0x0], $0xffff  }
0x52: {  	v30 =	vadd.s32 $0x2, v7;
	v28 =	vadd.s32 $0x1, v12;
	v29 =	vadd.s32 $0x2, v12;
	v31 =	vld.idx.msk [tilespmem:v2+s2+$0x0], $0xffff  }
0x53: {  	v32 =	vadd.s32 $0x2, v10;
	v33 =	vadd.s32 $0x2, v9;
	v34 =	vadd.s32 $0x2, v14;
	v35 =	vld.idx.msk [tilespmem:v1+s2+$0x0], $0xffff  }
0x54: {  	v37 =	vadd.s32 $0x3, v13;
	v38 =	vadd.s32 $0x3, v7;
	v36 =	vadd.s32 $0x3, v12;
	v39 =	vld.idx.msk [tilespmem:v0+s2+$0x0], $0xffff  }
0x55: {  	v2 =	vadd.s32 $0x3, v10;
	v1 =	vadd.s32 $0x3, v9;
	v0 =	vadd.s32 $0x3, v14;
	v11 =	vld.idx.msk [tilespmem:v11+s2+$0x0], $0xffff  }
0x56: {  	v8 =	vunpack.i.l.bf16.f32 v8;
	v3 =	vmul.bf16 v17, v3;
	v17 =	vmul.bf16 v21, v19;
	v6 =	vld.idx.msk [tilespmem:v6+s2+$0x0], $0xffff  }
0x57: {  	v8 =	vadd.f32 v8, v16;
	v19 =	vld.idx.msk [tilespmem:v28+s2+$0x0], $0xffff  }
0x58: {  	v3 =	vadd.bf16 v3, v4;
	v15 =	vmul.bf16 v31, v15;
	v16 =	vld.idx.msk [tilespmem:v18+s2+$0x0], $0xffff;
	v18 =	vmul.bf16 v25, v23  }
0x59: {  	v5 =	vadd.bf16 v17, v5;
	v4 =	vld.idx.msk [tilespmem:v20+s2+$0x0], $0xffff;
	[tilespmem:s21+$0xFFFFFFE0] =	vst v8  }
0x5a: {  	v17 =	vmul.bf16 v39, v35;
	v8 =	vld.idx.msk [tilespmem:v22+s2+$0x0], $0xffff;
	v15 =	vadd.bf16 v15, v18;
	v18 =	vunpack.i.u.bf16.f32 v3  }
0x5b: {  	v21 =	vunpack.i.u.bf16.f32 v5;
	v5 =	vunpack.i.l.bf16.f32 v5;
	v3 =	vunpack.i.l.bf16.f32 v3;
	v20 =	vld.idx.msk [tilespmem:v24+s2+$0x0], $0xffff  }
0x5c: {  	v6 =	vmul.bf16 v6, v11;
	v3 =	vadd.f32 v3, v18;
	v22 =	vld.idx.msk [tilespmem:v27+s2+$0x0], $0xffff;
	v15 =	vadd.bf16 v17, v15  }
0x5d: {  	v5 =	vadd.f32 v5, v21;
	v11 =	vld.idx.msk [tilespmem:v12+s2+$0x0], $0xffff  }
0x5e: {  	v12 =	vld.idx.msk [tilespmem:v13+s2+$0x0], $0xffff;
	v13 =	vmul.bf16 v16, v19;
	v6 =	vadd.bf16 v6, v15;
	[tilespmem:s21+$0xFFFFFFF0] =	vst v3  }
0x5f: {  	v3 =	vld.idx.msk [tilespmem:v7+s2+$0x0], $0xffff;
	[tilespmem:s21+$0x0] =	vst v5  }
0x60: {  	v7 =	vmul.bf16 v8, v4;
	v5 =	vld.idx.msk [tilespmem:v10+s2+$0x0], $0xffff;
	v4 =	vunpack.i.u.bf16.f32 v6;
	v6 =	vunpack.i.l.bf16.f32 v6  }
0x61: {  	v8 =	vld.idx.msk [tilespmem:v9+s2+$0x0], $0xffff;
	v4 =	vadd.f32 v6, v4  }
0x62: {  	s21 =	sadd.s32 $0x40, s21;
	v9 =	vld.idx.msk [tilespmem:v14+s2+$0x0], $0xffff;
	v14 =	vmul.bf16 v22, v20  }
0x63: {  	v15 =	vld.idx.msk [tilespmem:v29+s2+$0x0], $0xffff;
	[tilespmem:s21+$0x10] =	vst v4  }
0x64: {  	v6 =	vmul.bf16 v12, v11;
	v11 =	vld.idx.msk [tilespmem:v26+s2+$0x0], $0xffff  }
0x65: {  	v4 =	vld.idx.msk [tilespmem:v30+s2+$0x0], $0xffff  }
0x66: {  	v12 =	vadd.bf16 v13, v6;
	v3 =	vmul.bf16 v5, v3;
	v6 =	vld.idx.msk [tilespmem:v32+s2+$0x0], $0xffff  }
.Ltmp0:
0x67: {  	v5 =	vld.idx.msk [tilespmem:v33+s2+$0x0], $0xffff;
	(pc) =	sbr.rel @p0 .LBB2_3-.Ltmp0, $4  }
0x68: {  	v10 =	vadd.bf16 v7, v3;
	v3 =	vmul.bf16 v9, v8;
	v7 =	vld.idx.msk [tilespmem:v34+s2+$0x0], $0xffff  }
0x69: {  	v8 =	vld.idx.msk [tilespmem:v36+s2+$0x0], $0xffff  }
0x6a: {  	v13 =	vmul.bf16 v11, v15;
	v11 =	vadd.bf16 v14, v3;
	v9 =	vld.idx.msk [tilespmem:v37+s2+$0x0], $0xffff  }
0x6b: {  	s23 =	sadd.s32 $0x40, s23;
	v3 =	vld.idx.msk [tilespmem:v38+s2+$0x0], $0xffff  }
0x6c: {  	_ =	sdelay $0x3  }
0x6d: {  	v2 =	vld.idx.msk [tilespmem:v2+s2+$0x0], $0xffff  }
0x6e: {  	v1 =	vld.idx.msk [tilespmem:v1+s2+$0x0], $0xffff  }
0x6f: {  	v0 =	vld.idx.msk [tilespmem:v0+s2+$0x0], $0xffff;
	_ =	sdelay $0x1  }
0x70: {  	v4 =	vmul.bf16 v6, v4  }
0x71: {  	v55 =	vadd.bf16 v13, v12;
	v5 =	vmul.bf16 v7, v5;
	v56 =	vmul.bf16 v9, v8  }
0x72: {  	v4 =	vadd.bf16 v4, v10;
	v2 =	vmul.bf16 v2, v3  }
0x73: {  	v57 =	vadd.bf16 v5, v11;
	v58 =	vadd.bf16 v56, v55;
	v0 =	vmul.bf16 v0, v1  }
0x74: {  	v59 =	vadd.bf16 v2, v4  }
0x75: {  	v60 =	vunpack.i.u.bf16.f32 v58;
	v61 =	vunpack.i.l.bf16.f32 v58;
	v0 =	vadd.bf16 v0, v57  }
0x76: {  	s19 =	smul.u32 $0xC800, s19;
	v2 =	vadd.f32 v61, v60;
	v62 =	vunpack.i.u.bf16.f32 v59;
	v1 =	vunpack.i.l.bf16.f32 v59  }
0x77: {  	v63 =	vunpack.i.u.bf16.f32 v0;
	v0 =	vunpack.i.l.bf16.f32 v0;
	v1 =	vadd.f32 v1, v62  }
0x78: {  	s18 =	sadd.s32 $0x1, s18;
	s19 =	sadd.s32 s8, s19;
	[tilespmem:s21+$0xFFFFFFE0] =	vst v2;
	v0 =	vadd.f32 v0, v63  }
0x79: {  	p0 =	sne.s32 s18, $0x64;
	s19 =	sshrl.u32 s19, $0x3;
	[tilespmem:s21+$0xFFFFFFF0] =	vst v1  }
.Ltmp1:
0x7a: {  	s19 =	sadd.s32 s4, s19;
	[tilespmem:s21+$0x0] =	vst v0;
	(pc) =	sbr.rel @p0 .LBB2_2-.Ltmp1, $4  }
0x7b: {  	[hbm4b:s19+s10] =	stream.strided.scatter [tilespmem:s16], [sflag:$0x1], $0xC80, s11, s10, $0x38;
	[tilespmem:$0xE900] =	vst v63  }
0x7c: {  	_ =	swait.ge [sflag:s12], $0xC80  }
0x7d: {  	[sflag:s12] =	ssyncset.done $0x0  }
0x7e: {  	[sflag:s12] =	ssyncadd.s32 $0xFFFFF380  }
0x7f: {  	s17 =	sadd.s32 $0x1, s17  }
0x80: {  	p0 =	sne.s32 s17, s9  }
.Ltmp2:
0x81: {  	_ = 	snop;
	(pc) =	sbr.rel @p0 .LBB2_1-.Ltmp2, $1  }
0x82: {  	_ =	sdelay $0x3  }
0x83: {  	_ =	sfence.sel $0x180000  }
0x84: {  	[bflag:$0x0] =	sbarrier.arrive $0xFFFF  }
0x85: {  	p0 =	sne.s32 s0, $0x0;
	_ =	strace $0x90000047  }
0x86: {  	s0 =	sadd.s32 @!p0 $0x100000, s1;
	[bflag:$0x2] =	sbarrier.arrive $0xFFFF  }
0x87: {  	[sflag:s0] =	ssyncadd.tile.s32 @!p0 $0x1;
	_ =	shalt  }
.Lfunc_end2:
_tile_overlayer_lowered:
.L_overlay_start_2:
0x88: {  	(tag) =	ssettag $0x2  }
0x89: {  	s0 =	rddreg [dreg:$0x0];
	s2 =	stileid.u32  }
0x8a: {  	s1 =	rddreg [dreg:$0x1];
	p0 =	sne.s32 s2, $0x0  }
0x8b: {  	s3 =	rddreg [dreg:$0x2];
	[bflag:$0x3] =	sbarrier.arrive $0xFFFF;
	s2 =	simm.s32 @!p0 $0x1C01  }
0x8c: {  	[timem:s3], [sflag:s2] =	dma.local @!p0 [hbm:s0], s1  }
0x8d: {  	s0 =	simm.s32 @!p0 $0x1  }
0x8e: {  	_ =	swait.ge @!p0 [sflag:s0], s1  }
0x8f: {  	s1 =	ssub.s32 @!p0 $0x0, s1;
	[sflag:s0] =	ssyncset.done @!p0 $0x0  }
0x90: {  	[sflag:s0] =	ssyncadd.s32 @!p0 s1  }
0x91: {  	[bflag:$0x3] =	sbarrier.arrive $0xFFFF  }
0x92: {  	_ =	shalt  }

</sc_bundles>
